<compile_context>
chip_gen: v7x
topology: tpu7x:2x2x1
jax: 0.10.2.dev20260603
libtpu: 0.0.44.dev20260713+nightly
codegen_flags: <defaults>
</compile_context>

<pallas_src>
import functools

import numpy as np
import jax
import jax.numpy as jnp
from jax import lax
from jax.experimental import pallas as pl
from jax.experimental.pallas import tpu as pltpu
from jax.experimental.pallas import tpu_sc as plsc

B, C, HW, P = 16, 3, 224, 16
GH = HW // P
K, D = 1024, 256
PD = C * P * P
N = B * GH * GH

TM = 392
NT = N // TM

NC, NS = 2, 16
NW = NC * NS

NCHUNK = PD // P
NROW = N * NCHUNK
RPW = NROW // NW
CH = 96
NDMA = RPW // CH


def _perm_tables():
    t = np.arange(N)
    b, gh, gw = t // (GH * GH), (t // GH) % GH, t % GH
    j = np.arange(NCHUNK)
    c, p1 = j // P, j % P
    perm = (((b[:, None] * C + c[None, :]) * HW + gh[:, None] * P + p1[None, :]) * GH
            + gw[:, None]).reshape(-1).astype(np.int32)
    r = np.arange(NROW)
    gw_r = r % GH
    q = r // GH
    h = q % HW
    bc = q // HW
    c_r, b_r = bc % C, bc // C
    gh_r, p1_r = h // P, h % P
    tokloc = (gh_r * GH + gw_r).astype(np.int32)
    offs = (c_r * P + p1_r).astype(np.int32)
    return perm, tokloc, offs


_PERM, _TOKLOC, _OFFS = _perm_tables()


def _vq_body(z_ref, zsq_ref, cb_ref, wd_ref, bd_ref, idx_ref, tab_ref):
    @pl.when(pl.program_id(0) == 0)
    def _():
        tab_ref[...] = jnp.dot(cb_ref[...], wd_ref[...],
                               preferred_element_type=jnp.float32) + bd_ref[...]

    cbv = cb_ref[...]
    e_sq = jnp.sum(cbv * cbv, axis=1, keepdims=True)
    zc = lax.dot_general(z_ref[...], cbv, (((1,), (1,)), ((), ())),
                         precision=lax.Precision.DEFAULT,
                         preferred_element_type=jnp.float32)
    dist = (zsq_ref[...] + e_sq.T) - 2.0 * zc
    minv = jnp.min(dist, axis=1, keepdims=True)
    iota = lax.broadcasted_iota(jnp.int32, (TM, K), 1)
    idx_ref[0, 0, :] = jnp.min(jnp.where(dist == minv, iota, K), axis=1)


def _vq_and_table(z, z_sq, codebook, W_dec, b_dec):
    return pl.pallas_call(
        _vq_body,
        grid=(NT,),
        in_specs=[
            pl.BlockSpec((TM, D), lambda i: (i, 0)),
            pl.BlockSpec((TM, 1), lambda i: (i, 0)),
            pl.BlockSpec((K, D), lambda i: (0, 0)),
            pl.BlockSpec((D, PD), lambda i: (0, 0)),
            pl.BlockSpec((PD,), lambda i: (0,)),
        ],
        out_specs=[
            pl.BlockSpec((1, 1, TM), lambda i: (i, 0, 0)),
            pl.BlockSpec((K, PD), lambda i: (0, 0)),
        ],
        out_shape=[
            jax.ShapeDtypeStruct((NT, 1, TM), jnp.int32),
            jax.ShapeDtypeStruct((K, PD), jnp.float32),
        ],
    )(z, z_sq, codebook, W_dec, b_dec)


def _sc_decode_gather(table2, idx, tokloc, offs):
    mesh = plsc.VectorSubcoreMesh(core_axis_name="c", subcore_axis_name="s",
                                  num_cores=NC, num_subcores=NS)
    TPB = N // B
    IW = 200

    @functools.partial(
        pl.kernel,
        mesh=mesh,
        out_type=jax.ShapeDtypeStruct((NROW, P), jnp.float32),
        compiler_params=pltpu.CompilerParams(use_tc_tiling_on_sc=False,
                                             needs_layout_passes=False),
        scratch_types=[
            pltpu.VMEM((IW,), jnp.int32),
            pltpu.VMEM((RPW,), jnp.int32),
            pltpu.VMEM((RPW,), jnp.int32),
            pltpu.VMEM((RPW,), jnp.int32),
            pltpu.VMEM((RPW, P), jnp.float32),
            pltpu.SemaphoreType.DMA,
        ],
    )
    def gather(tab_hbm, idx_hbm, tok_hbm, off_hbm, out_hbm,
               idxw_v, tl_v, of_v, src_v, slab_v, sem):
        wid = lax.axis_index("s") * NC + lax.axis_index("c")
        base = wid * RPW
        bb = wid // 2
        al = (bb * TPB) % 8
        iw_start = pl.multiple_of(bb * TPB - al, 8)
        pltpu.sync_copy(idx_hbm.at[pl.ds(iw_start, IW)], idxw_v)
        pltpu.sync_copy(tok_hbm.at[pl.ds(base, RPW)], tl_v)
        pltpu.sync_copy(off_hbm.at[pl.ds(base, RPW)], of_v)

        def ibody(j, carry):
            o = j * 16
            t16 = tl_v[pl.ds(o, 16)] + al
            iv = plsc.load_gather(idxw_v, [t16])
            src_v[pl.ds(o, 16)] = iv * NCHUNK + of_v[pl.ds(o, 16)]
            return carry

        lax.fori_loop(0, RPW // 16, ibody, 0)

        def body(j, carry):
            o = j * CH
            pltpu.async_copy(tab_hbm.at[src_v.at[pl.ds(o, CH)]],
                             slab_v.at[pl.ds(o, CH)], sem)
            return carry

        lax.fori_loop(0, NDMA, body, 0)
        pltpu.make_async_copy(tab_hbm.at[pl.ds(0, RPW)], slab_v, sem).wait()
        pltpu.sync_copy(slab_v, out_hbm.at[pl.ds(base, RPW)])

    return gather(table2, idx, tokloc, offs)


def _sc_gather(table2, src):
    mesh = plsc.VectorSubcoreMesh(core_axis_name="c", subcore_axis_name="s",
                                  num_cores=NC, num_subcores=NS)

    @functools.partial(
        pl.kernel,
        mesh=mesh,
        out_type=jax.ShapeDtypeStruct((NROW, P), jnp.float32),
        compiler_params=pltpu.CompilerParams(use_tc_tiling_on_sc=False),
        scratch_types=[
            pltpu.VMEM((RPW,), jnp.int32),
            pltpu.VMEM((RPW, P), jnp.float32),
            pltpu.SemaphoreType.DMA,
        ],
    )
    def gather(tab_hbm, src_hbm, out_hbm, idx_v, slab_v, sem):
        wid = lax.axis_index("s") * NC + lax.axis_index("c")
        base = wid * RPW
        pltpu.sync_copy(src_hbm.at[pl.ds(base, RPW)], idx_v)

        def body(j, carry):
            o = j * CH
            pltpu.async_copy(tab_hbm.at[idx_v.at[pl.ds(o, CH)]],
                             slab_v.at[pl.ds(o, CH)], sem)
            return carry

        lax.fori_loop(0, NDMA, body, 0)
        pltpu.make_async_copy(tab_hbm.at[pl.ds(0, RPW)], slab_v, sem).wait()
        pltpu.sync_copy(slab_v, out_hbm.at[pl.ds(base, RPW)])

    return gather(table2, src)


def kernel(x, codebook, W_enc, b_enc, W_dec, b_dec):
    x_rows = x.reshape(NROW, P)
    xp = _sc_gather(x_rows, _PERM).reshape(N, PD)
    z_e = xp @ W_enc + b_enc
    z_flat = z_e.reshape(N, D)
    z_sq = jnp.sum(z_flat ** 2, axis=1, keepdims=True)
    idx3, table = _vq_and_table(z_flat, z_sq, codebook, W_dec, b_dec)
    idx = idx3.reshape(N)
    table2 = table.reshape(K * NCHUNK, P)
    x_recon = _sc_decode_gather(table2, idx, _TOKLOC, _OFFS).reshape(B, C, HW, HW)
    codes = idx.reshape(B, GH, GH)
    return x_recon, codes

# --- scband reference (transcript-rebuilt; emitter-appended) ---
"""Pipeline reference for scband-vqvae-34643206210158 (READ-ONLY COPY).

The authoritative reference and input builder live on the scoring server;
editing this copy changes nothing except your own understanding.
"""

import jax, jax.numpy as jnp
import numpy as np

B, C, HW, P = 16, 3, 224, 16
GH = HW // P  # 14
K, D = 1024, 256
PD = C * P * P  # 768


def setup_inputs(seed: int = 0) -> dict:
    key = jax.random.key(seed)
    k1, k2, k3, k4 = jax.random.split(key, 4)
    x = jax.random.normal(k1, (B, C, HW, HW), dtype=jnp.float32)
    # codebook init matches nn.init.uniform_(-1/K, 1/K)
    codebook = jax.random.uniform(k2, (K, D), dtype=jnp.float32, minval=-1.0 / K, maxval=1.0 / K)
    # EncoderCNN modeled as a patchify conv: Conv2d(3, D, kernel=16, stride=16)
    W_enc = jax.random.normal(k3, (PD, D), dtype=jnp.float32) * (1.0 / np.sqrt(PD))
    b_enc = jnp.zeros((D,), dtype=jnp.float32)
    # DecoderCNN modeled as the transpose: ConvTranspose2d(D, 3, kernel=16, stride=16)
    W_dec = jax.random.normal(k4, (D, PD), dtype=jnp.float32) * (1.0 / np.sqrt(D))
    b_dec = jnp.zeros((PD,), dtype=jnp.float32)
    return {"x": x, "codebook": codebook, "W_enc": W_enc, "b_enc": b_enc, "W_dec": W_dec, "b_dec": b_dec}


def reference(x, codebook, W_enc, b_enc, W_dec, b_dec):
    # ---- encoder (patchify conv, stride == kernel so exact as reshape+matmul) ----
    xp = x.reshape(B, C, GH, P, GH, P).transpose(0, 2, 4, 1, 3, 5).reshape(B, GH, GH, PD)
    z_e = xp @ W_enc + b_enc  # [B, GH, GH, D]  (already channel-last, matches permute)
    z_flat = z_e.reshape(B * GH * GH, D)
    # ---- vector quantization ----
    z_sq = jnp.sum(z_flat ** 2, axis=1, keepdims=True)
    e_sq = jnp.sum(codebook ** 2, axis=1, keepdims=True)
    distances = z_sq + e_sq.T - 2.0 * (z_flat @ codebook.T)  # [N, K]
    encoding_indices = jnp.argmin(distances, axis=1)
    codes = encoding_indices.reshape(B, GH, GH)
    # ---- decode: embedding gather + transpose-conv ----
    z_q = jnp.take(codebook, encoding_indices, axis=0).reshape(B, GH, GH, D)
    rec_p = z_q @ W_dec + b_dec  # [B, GH, GH, PD]
    x_recon = rec_p.reshape(B, GH, GH, C, P, P).transpose(0, 3, 1, 4, 2, 5).reshape(B, C, HW, HW)
    return x_recon, codes


if False:  # reference __main__ guard neutralized (emitter)
    out = reference(**setup_inputs())
    print(out[0].shape, out[1].shape)

if __name__ == "__main__":
    import jax
    _d = setup_inputs()
    print(jax.jit(kernel)(*tuple(_d.values())))

</pallas_src>

<mosaic_0001>
#map = affine_map<(d0, d1) -> (0, 0)>
#map1 = affine_map<(d0, d1) -> (0)>
module attributes {stable_mosaic.version = 14 : i64} {
  func.func @gather(%arg0: i32, %arg1: i32, %arg2: memref<150528x16xf32, #tpu.memory_space<hbm>>, %arg3: memref<150528xi32, #tpu.memory_space<hbm>>, %arg4: memref<150528x16xf32, #tpu.memory_space<hbm>>, %arg5: memref<4704xi32, #tpu.memory_space<vmem>>, %arg6: memref<4704x16xf32, #tpu.memory_space<vmem>>, %arg7: memref<!tpu.dma_semaphore, #tpu.memory_space<semaphore_mem>>) attributes {dimension_semantics = [#tpu.dimension_semantics<core_parallel>, #tpu.dimension_semantics<subcore_parallel>], iteration_bounds = array<i64: 2, 16>, scalar_prefetch = 0 : i64, scratch_operands = 3 : i64, tpu.core_type = #tpu.core_type<sc_vector_subcore>, window_params = [{transform_indices = #map}, {transform_indices = #map1}, {transform_indices = #map}]} {
    %mul3A = arith.constant 2 : i32
    %mul3A_0 = arith.muli %arg1, %mul3A : i32
    %add3A = arith.addi %mul3A_0, %arg0 : i32
    %mul3A_1 = arith.constant 4704 : i32
    %mul3A_2 = arith.muli %add3A, %mul3A_1 : i32
    "tpu.region"() ({
      %run_scoped3A = tpu.sem_alloc : memref<!tpu.dma_semaphore, #tpu.memory_space<semaphore_mem>>
      %dma_start3A = tpu.memref_slice %arg3[%mul3A_2] : memref<150528xi32, #tpu.memory_space<hbm>> -> memref<4704xi32, #tpu.memory_space<hbm>>
      %dma_start3A_13 = tpu.memref_slice %arg3[%mul3A_2] : memref<150528xi32, #tpu.memory_space<hbm>> -> memref<4704xi32, #tpu.memory_space<hbm>>
      tpu.enqueue_dma source(%dma_start3A_13 : memref<4704xi32, #tpu.memory_space<hbm>>) target(%arg5 : memref<4704xi32, #tpu.memory_space<vmem>>) target_semaphore(%run_scoped3A : memref<!tpu.dma_semaphore, #tpu.memory_space<semaphore_mem>>)
      %dma_wait3A_14 = tpu.memref_slice %arg3[%mul3A_2] : memref<150528xi32, #tpu.memory_space<hbm>> -> memref<4704xi32, #tpu.memory_space<hbm>>
      %dma_wait3A_15 = tpu.memref_slice %arg3[%mul3A_2] : memref<150528xi32, #tpu.memory_space<hbm>> -> memref<4704xi32, #tpu.memory_space<hbm>>
      tpu.wait_dma2 semaphore(%run_scoped3A : memref<!tpu.dma_semaphore, #tpu.memory_space<semaphore_mem>>) src(%dma_wait3A_15 : memref<4704xi32, #tpu.memory_space<hbm>>) dst(%arg5 : memref<4704xi32, #tpu.memory_space<vmem>>)
      tpu.yield
    }) : () -> ()
    %scan3A = arith.constant 0 : i32
    %scan3A_3 = arith.constant 0 : i32
    %scan3A_4 = arith.constant 49 : i32
    %scan3A_5 = arith.addi %scan3A_3, %scan3A_4 : i32
    %scan3A_6 = arith.constant 1 : i32
    scf.for %scan3A_13 = %scan3A_3 to %scan3A_5 step %scan3A_6  : i32 {
      %mul3A_14 = arith.constant 96 : i32
      %mul3A_15 = arith.muli %scan3A_13, %mul3A_14 : i32
      %dma_start3A = arith.constant 0 : i32
      %dma_start3A_16 = tpu.memref_slice %arg6[%mul3A_15, %dma_start3A] : memref<4704x16xf32, #tpu.memory_space<vmem>> -> memref<96x16xf32, #tpu.memory_space<vmem>>
      %dma_start3A_17 = tpu.memref_slice %arg5[%mul3A_15] : memref<4704xi32, #tpu.memory_space<vmem>> -> memref<96xi32, #tpu.memory_space<vmem>>
      %dma_start3A_18 = arith.constant 0 : i32
      %dma_start3A_19 = arith.constant 0 : i32
      %dma_start3A_20 = tpu.memref_slice %arg2[%dma_start3A_18, %dma_start3A_19] : memref<150528x16xf32, #tpu.memory_space<hbm>> -> memref<150528x16xf32, #tpu.memory_space<hbm>>
      tpu.enqueue_indirect_dma source(%dma_start3A_20 : memref<150528x16xf32, #tpu.memory_space<hbm>>) target(%dma_start3A_16 : memref<96x16xf32, #tpu.memory_space<vmem>>) offsets(%dma_start3A_17 : memref<96xi32, #tpu.memory_space<vmem>>) semaphore(%arg7 : memref<!tpu.dma_semaphore, #tpu.memory_space<semaphore_mem>>)
    }
    %scan3A_7 = arith.constant 49 : i32
    %dma_wait3A = arith.constant 0 : i32
    %dma_wait3A_8 = arith.constant 0 : i32
    %dma_wait3A_9 = tpu.memref_slice %arg2[%dma_wait3A, %dma_wait3A_8] : memref<150528x16xf32, #tpu.memory_space<hbm>> -> memref<4704x16xf32, #tpu.memory_space<hbm>>
    %dma_wait3A_10 = arith.constant 0 : i32
    %dma_wait3A_11 = arith.constant 0 : i32
    %dma_wait3A_12 = tpu.memref_slice %arg2[%dma_wait3A_10, %dma_wait3A_11] : memref<150528x16xf32, #tpu.memory_space<hbm>> -> memref<4704x16xf32, #tpu.memory_space<hbm>>
    tpu.wait_dma2 semaphore(%arg7 : memref<!tpu.dma_semaphore, #tpu.memory_space<semaphore_mem>>) src(%dma_wait3A_12 : memref<4704x16xf32, #tpu.memory_space<hbm>>) dst(%arg6 : memref<4704x16xf32, #tpu.memory_space<vmem>>)
    "tpu.region"() ({
      %run_scoped3A = tpu.sem_alloc : memref<!tpu.dma_semaphore, #tpu.memory_space<semaphore_mem>>
      %dma_start3A = arith.constant 0 : i32
      %dma_start3A_13 = tpu.memref_slice %arg4[%mul3A_2, %dma_start3A] : memref<150528x16xf32, #tpu.memory_space<hbm>> -> memref<4704x16xf32, #tpu.memory_space<hbm>>
      %dma_start3A_14 = arith.constant 0 : i32
      %dma_start3A_15 = tpu.memref_slice %arg4[%mul3A_2, %dma_start3A_14] : memref<150528x16xf32, #tpu.memory_space<hbm>> -> memref<4704x16xf32, #tpu.memory_space<hbm>>
      tpu.enqueue_dma source(%arg6 : memref<4704x16xf32, #tpu.memory_space<vmem>>) target(%dma_start3A_15 : memref<4704x16xf32, #tpu.memory_space<hbm>>) target_semaphore(%run_scoped3A : memref<!tpu.dma_semaphore, #tpu.memory_space<semaphore_mem>>)
      %dma_wait3A_16 = arith.constant 0 : i32
      %dma_wait3A_17 = tpu.memref_slice %arg4[%mul3A_2, %dma_wait3A_16] : memref<150528x16xf32, #tpu.memory_space<hbm>> -> memref<4704x16xf32, #tpu.memory_space<hbm>>
      %dma_wait3A_18 = arith.constant 0 : i32
      %dma_wait3A_19 = tpu.memref_slice %arg4[%mul3A_2, %dma_wait3A_18] : memref<150528x16xf32, #tpu.memory_space<hbm>> -> memref<4704x16xf32, #tpu.memory_space<hbm>>
      tpu.wait_dma2 semaphore(%run_scoped3A : memref<!tpu.dma_semaphore, #tpu.memory_space<semaphore_mem>>) src(%arg6 : memref<4704x16xf32, #tpu.memory_space<vmem>>) dst(%dma_wait3A_19 : memref<4704x16xf32, #tpu.memory_space<hbm>>)
      tpu.yield
    }) : () -> ()
    return
  }
}

#map = affine_map<(d0, d1) -> (0, 0)>
#map1 = affine_map<(d0, d1) -> (0)>
module attributes {stable_mosaic.version = 14 : i64} {
  func.func @gather(%arg0: i32, %arg1: i32, %arg2: memref<49152x16xf32, #tpu.memory_space<hbm>>, %arg3: memref<3136xi32, #tpu.memory_space<hbm>>, %arg4: memref<150528xi32, #tpu.memory_space<hbm>>, %arg5: memref<150528xi32, #tpu.memory_space<hbm>>, %arg6: memref<150528x16xf32, #tpu.memory_space<hbm>>, %arg7: memref<200xi32, #tpu.memory_space<vmem>>, %arg8: memref<4704xi32, #tpu.memory_space<vmem>>, %arg9: memref<4704xi32, #tpu.memory_space<vmem>>, %arg10: memref<4704xi32, #tpu.memory_space<vmem>>, %arg11: memref<4704x16xf32, #tpu.memory_space<vmem>>, %arg12: memref<!tpu.dma_semaphore, #tpu.memory_space<semaphore_mem>>) attributes {dimension_semantics = [#tpu.dimension_semantics<core_parallel>, #tpu.dimension_semantics<subcore_parallel>], iteration_bounds = array<i64: 2, 16>, scalar_prefetch = 0 : i64, scratch_operands = 6 : i64, tpu.core_type = #tpu.core_type<sc_vector_subcore>, window_params = [{transform_indices = #map}, {transform_indices = #map1}, {transform_indices = #map1}, {transform_indices = #map1}, {transform_indices = #map}]} {
    %mul3A = arith.constant 2 : i32
    %mul3A_0 = arith.muli %arg1, %mul3A : i32
    %add3A = arith.addi %mul3A_0, %arg0 : i32
    %mul3A_1 = arith.constant 4704 : i32
    %mul3A_2 = arith.muli %add3A, %mul3A_1 : i32
    %jit3A = arith.constant 2 : i32
    %div3A = arith.divsi %add3A, %jit3A : i32
    %sign3A = arith.constant 0 : i32
    %sign3A_3 = arith.cmpi sgt, %add3A, %sign3A : i32
    %sign3A_4 = arith.extui %sign3A_3 : i1 to i32
    %sign3A_5 = arith.constant 0 : i32
    %sign3A_6 = arith.cmpi slt, %add3A, %sign3A_5 : i32
    %sign3A_7 = arith.extui %sign3A_6 : i1 to i32
    %sign3A_8 = arith.subi %sign3A_4, %sign3A_7 : i32
    %sign3A_9 = arith.constant 0 : i32
    %sign3A_10 = arith.cmpi sgt, %jit3A, %sign3A_9 : i32
    %sign3A_11 = arith.extui %sign3A_10 : i1 to i32
    %sign3A_12 = arith.constant 0 : i32
    %sign3A_13 = arith.cmpi slt, %jit3A, %sign3A_12 : i32
    %sign3A_14 = arith.extui %sign3A_13 : i1 to i32
    %sign3A_15 = arith.subi %sign3A_11, %sign3A_14 : i32
    %ne3A = arith.cmpi ne, %sign3A_8, %sign3A_15 : i32
    %rem3A = arith.remsi %add3A, %jit3A : i32
    %ne3A_16 = arith.constant 0 : i32
    %ne3A_17 = arith.cmpi ne, %rem3A, %ne3A_16 : i32
    %and3A = arith.andi %ne3A, %ne3A_17 : i1
    %sub3A = arith.constant 1 : i32
    %sub3A_18 = arith.subi %div3A, %sub3A : i32
    %select_n3A = arith.select %and3A, %sub3A_18, %div3A : i32
    %mul3A_19 = arith.constant 196 : i32
    %mul3A_20 = arith.muli %select_n3A, %mul3A_19 : i32
    %jit3A_21 = arith.constant 8 : i32
    %eq3A = arith.constant 0 : i32
    %eq3A_22 = arith.cmpi eq, %jit3A_21, %eq3A : i32
    %jit3A_23 = arith.constant 1 : i32
    %select_n3A_24 = arith.select %eq3A_22, %jit3A_23, %jit3A_21 : i32
    %rem3A_25 = arith.remsi %mul3A_20, %select_n3A_24 : i32
    %ne3A_26 = arith.constant 0 : i32
    %ne3A_27 = arith.cmpi ne, %rem3A_25, %ne3A_26 : i32
    %lt3A = arith.constant 0 : i32
    %lt3A_28 = arith.cmpi slt, %rem3A_25, %lt3A : i32
    %lt3A_29 = arith.constant 0 : i32
    %lt3A_30 = arith.cmpi slt, %select_n3A_24, %lt3A_29 : i32
    %ne3A_31 = arith.xori %lt3A_28, %lt3A_30 : i1
    %and3A_32 = arith.andi %ne3A_31, %ne3A_27 : i1
    %add3A_33 = arith.addi %rem3A_25, %select_n3A_24 : i32
    %select_n3A_34 = arith.select %and3A_32, %add3A_33, %rem3A_25 : i32
    %mul3A_35 = arith.constant 196 : i32
    %mul3A_36 = arith.muli %select_n3A, %mul3A_35 : i32
    %sub3A_37 = arith.subi %mul3A_36, %select_n3A_34 : i32
    %multiple_of3A = tpu.assume_multiple %sub3A_37, 8 : i32
    "tpu.region"() ({
      %run_scoped3A = tpu.sem_alloc : memref<!tpu.dma_semaphore, #tpu.memory_space<semaphore_mem>>
      %dma_start3A = tpu.memref_slice %arg3[%multiple_of3A] : memref<3136xi32, #tpu.memory_space<hbm>> -> memref<200xi32, #tpu.memory_space<hbm>>
      %dma_start3A_54 = tpu.memref_slice %arg3[%multiple_of3A] : memref<3136xi32, #tpu.memory_space<hbm>> -> memref<200xi32, #tpu.memory_space<hbm>>
      tpu.enqueue_dma source(%dma_start3A_54 : memref<200xi32, #tpu.memory_space<hbm>>) target(%arg7 : memref<200xi32, #tpu.memory_space<vmem>>) target_semaphore(%run_scoped3A : memref<!tpu.dma_semaphore, #tpu.memory_space<semaphore_mem>>)
      %dma_wait3A_55 = tpu.memref_slice %arg3[%multiple_of3A] : memref<3136xi32, #tpu.memory_space<hbm>> -> memref<200xi32, #tpu.memory_space<hbm>>
      %dma_wait3A_56 = tpu.memref_slice %arg3[%multiple_of3A] : memref<3136xi32, #tpu.memory_space<hbm>> -> memref<200xi32, #tpu.memory_space<hbm>>
      tpu.wait_dma2 semaphore(%run_scoped3A : memref<!tpu.dma_semaphore, #tpu.memory_space<semaphore_mem>>) src(%dma_wait3A_56 : memref<200xi32, #tpu.memory_space<hbm>>) dst(%arg7 : memref<200xi32, #tpu.memory_space<vmem>>)
      tpu.yield
    }) : () -> ()
    "tpu.region"() ({
      %run_scoped3A = tpu.sem_alloc : memref<!tpu.dma_semaphore, #tpu.memory_space<semaphore_mem>>
      %dma_start3A = tpu.memref_slice %arg4[%mul3A_2] : memref<150528xi32, #tpu.memory_space<hbm>> -> memref<4704xi32, #tpu.memory_space<hbm>>
      %dma_start3A_54 = tpu.memref_slice %arg4[%mul3A_2] : memref<150528xi32, #tpu.memory_space<hbm>> -> memref<4704xi32, #tpu.memory_space<hbm>>
      tpu.enqueue_dma source(%dma_start3A_54 : memref<4704xi32, #tpu.memory_space<hbm>>) target(%arg8 : memref<4704xi32, #tpu.memory_space<vmem>>) target_semaphore(%run_scoped3A : memref<!tpu.dma_semaphore, #tpu.memory_space<semaphore_mem>>)
      %dma_wait3A_55 = tpu.memref_slice %arg4[%mul3A_2] : memref<150528xi32, #tpu.memory_space<hbm>> -> memref<4704xi32, #tpu.memory_space<hbm>>
      %dma_wait3A_56 = tpu.memref_slice %arg4[%mul3A_2] : memref<150528xi32, #tpu.memory_space<hbm>> -> memref<4704xi32, #tpu.memory_space<hbm>>
      tpu.wait_dma2 semaphore(%run_scoped3A : memref<!tpu.dma_semaphore, #tpu.memory_space<semaphore_mem>>) src(%dma_wait3A_56 : memref<4704xi32, #tpu.memory_space<hbm>>) dst(%arg8 : memref<4704xi32, #tpu.memory_space<vmem>>)
      tpu.yield
    }) : () -> ()
    "tpu.region"() ({
      %run_scoped3A = tpu.sem_alloc : memref<!tpu.dma_semaphore, #tpu.memory_space<semaphore_mem>>
      %dma_start3A = tpu.memref_slice %arg5[%mul3A_2] : memref<150528xi32, #tpu.memory_space<hbm>> -> memref<4704xi32, #tpu.memory_space<hbm>>
      %dma_start3A_54 = tpu.memref_slice %arg5[%mul3A_2] : memref<150528xi32, #tpu.memory_space<hbm>> -> memref<4704xi32, #tpu.memory_space<hbm>>
      tpu.enqueue_dma source(%dma_start3A_54 : memref<4704xi32, #tpu.memory_space<hbm>>) target(%arg9 : memref<4704xi32, #tpu.memory_space<vmem>>) target_semaphore(%run_scoped3A : memref<!tpu.dma_semaphore, #tpu.memory_space<semaphore_mem>>)
      %dma_wait3A_55 = tpu.memref_slice %arg5[%mul3A_2] : memref<150528xi32, #tpu.memory_space<hbm>> -> memref<4704xi32, #tpu.memory_space<hbm>>
      %dma_wait3A_56 = tpu.memref_slice %arg5[%mul3A_2] : memref<150528xi32, #tpu.memory_space<hbm>> -> memref<4704xi32, #tpu.memory_space<hbm>>
      tpu.wait_dma2 semaphore(%run_scoped3A : memref<!tpu.dma_semaphore, #tpu.memory_space<semaphore_mem>>) src(%dma_wait3A_56 : memref<4704xi32, #tpu.memory_space<hbm>>) dst(%arg9 : memref<4704xi32, #tpu.memory_space<vmem>>)
      tpu.yield
    }) : () -> ()
    %scan3A = arith.constant 0 : i32
    %scan3A_38 = arith.constant 0 : i32
    %scan3A_39 = arith.constant 294 : i32
    %scan3A_40 = arith.addi %scan3A_38, %scan3A_39 : i32
    %scan3A_41 = arith.constant 1 : i32
    scf.for %scan3A_54 = %scan3A_38 to %scan3A_40 step %scan3A_41  : i32 {
      %mul3A_55 = arith.constant 16 : i32
      %mul3A_56 = arith.muli %scan3A_54, %mul3A_55 : i32
      %get3A = arith.index_cast %mul3A_56 : i32 to index
      %get3A_57 = tpu.vector_load %arg8[%get3A] {strides = array<i32>} : memref<4704xi32, #tpu.memory_space<vmem>>, vector<16xi32>,
      %add3A_58 = vector.broadcast %select_n3A_34 : i32 to vector<16xi32>
      %add3A_59 = arith.addi %get3A_57, %add3A_58 : vector<16xi32>
      %gather3A = tpu.vector_load_idx %arg7[%add3A_59] : memref<200xi32, #tpu.memory_space<vmem>>[vector<16xi32>], vector<16xi32>,
      %mul3A_60 = arith.constant 48 : i32
      %mul3A_61 = vector.broadcast %mul3A_60 : i32 to vector<16xi32>
      %mul3A_62 = arith.muli %gather3A, %mul3A_61 : vector<16xi32>
      %get3A_63 = arith.index_cast %mul3A_56 : i32 to index
      %get3A_64 = tpu.vector_load %arg9[%get3A_63] {strides = array<i32>} : memref<4704xi32, #tpu.memory_space<vmem>>, vector<16xi32>,
      %add3A_65 = arith.addi %mul3A_62, %get3A_64 : vector<16xi32>
      %swap3A = arith.index_cast %mul3A_56 : i32 to index
      %swap3A_66 = tpu.vector_load %arg10[%swap3A] {strides = array<i32>} : memref<4704xi32, #tpu.memory_space<vmem>>, vector<16xi32>,
      tpu.vector_store %arg10[%swap3A], %add3A_65 {strides = array<i32>} : memref<4704xi32, #tpu.memory_space<vmem>>, vector<16xi32>,
    }
    %scan3A_42 = arith.constant 294 : i32
    %scan3A_43 = arith.constant 0 : i32
    %scan3A_44 = arith.constant 0 : i32
    %scan3A_45 = arith.constant 49 : i32
    %scan3A_46 = arith.addi %scan3A_44, %scan3A_45 : i32
    %scan3A_47 = arith.constant 1 : i32
    scf.for %scan3A_54 = %scan3A_44 to %scan3A_46 step %scan3A_47  : i32 {
      %mul3A_55 = arith.constant 96 : i32
      %mul3A_56 = arith.muli %scan3A_54, %mul3A_55 : i32
      %dma_start3A = arith.constant 0 : i32
      %dma_start3A_57 = tpu.memref_slice %arg11[%mul3A_56, %dma_start3A] : memref<4704x16xf32, #tpu.memory_space<vmem>> -> memref<96x16xf32, #tpu.memory_space<vmem>>
      %dma_start3A_58 = tpu.memref_slice %arg10[%mul3A_56] : memref<4704xi32, #tpu.memory_space<vmem>> -> memref<96xi32, #tpu.memory_space<vmem>>
      %dma_start3A_59 = arith.constant 0 : i32
      %dma_start3A_60 = arith.constant 0 : i32
      %dma_start3A_61 = tpu.memref_slice %arg2[%dma_start3A_59, %dma_start3A_60] : memref<49152x16xf32, #tpu.memory_space<hbm>> -> memref<49152x16xf32, #tpu.memory_space<hbm>>
      tpu.enqueue_indirect_dma source(%dma_start3A_61 : memref<49152x16xf32, #tpu.memory_space<hbm>>) target(%dma_start3A_57 : memref<96x16xf32, #tpu.memory_space<vmem>>) offsets(%dma_start3A_58 : memref<96xi32, #tpu.memory_space<vmem>>) semaphore(%arg12 : memref<!tpu.dma_semaphore, #tpu.memory_space<semaphore_mem>>)
    }
    %scan3A_48 = arith.constant 49 : i32
    %dma_wait3A = arith.constant 0 : i32
    %dma_wait3A_49 = arith.constant 0 : i32
    %dma_wait3A_50 = tpu.memref_slice %arg2[%dma_wait3A, %dma_wait3A_49] : memref<49152x16xf32, #tpu.memory_space<hbm>> -> memref<4704x16xf32, #tpu.memory_space<hbm>>
    %dma_wait3A_51 = arith.constant 0 : i32
    %dma_wait3A_52 = arith.constant 0 : i32
    %dma_wait3A_53 = tpu.memref_slice %arg2[%dma_wait3A_51, %dma_wait3A_52] : memref<49152x16xf32, #tpu.memory_space<hbm>> -> memref<4704x16xf32, #tpu.memory_space<hbm>>
    tpu.wait_dma2 semaphore(%arg12 : memref<!tpu.dma_semaphore, #tpu.memory_space<semaphore_mem>>) src(%dma_wait3A_53 : memref<4704x16xf32, #tpu.memory_space<hbm>>) dst(%arg11 : memref<4704x16xf32, #tpu.memory_space<vmem>>)
    "tpu.region"() ({
      %run_scoped3A = tpu.sem_alloc : memref<!tpu.dma_semaphore, #tpu.memory_space<semaphore_mem>>
      %dma_start3A = arith.constant 0 : i32
      %dma_start3A_54 = tpu.memref_slice %arg6[%mul3A_2, %dma_start3A] : memref<150528x16xf32, #tpu.memory_space<hbm>> -> memref<4704x16xf32, #tpu.memory_space<hbm>>
      %dma_start3A_55 = arith.constant 0 : i32
      %dma_start3A_56 = tpu.memref_slice %arg6[%mul3A_2, %dma_start3A_55] : memref<150528x16xf32, #tpu.memory_space<hbm>> -> memref<4704x16xf32, #tpu.memory_space<hbm>>
      tpu.enqueue_dma source(%arg11 : memref<4704x16xf32, #tpu.memory_space<vmem>>) target(%dma_start3A_56 : memref<4704x16xf32, #tpu.memory_space<hbm>>) target_semaphore(%run_scoped3A : memref<!tpu.dma_semaphore, #tpu.memory_space<semaphore_mem>>)
      %dma_wait3A_57 = arith.constant 0 : i32
      %dma_wait3A_58 = tpu.memref_slice %arg6[%mul3A_2, %dma_wait3A_57] : memref<150528x16xf32, #tpu.memory_space<hbm>> -> memref<4704x16xf32, #tpu.memory_space<hbm>>
      %dma_wait3A_59 = arith.constant 0 : i32
      %dma_wait3A_60 = tpu.memref_slice %arg6[%mul3A_2, %dma_wait3A_59] : memref<150528x16xf32, #tpu.memory_space<hbm>> -> memref<4704x16xf32, #tpu.memory_space<hbm>>
      tpu.wait_dma2 semaphore(%run_scoped3A : memref<!tpu.dma_semaphore, #tpu.memory_space<semaphore_mem>>) src(%arg11 : memref<4704x16xf32, #tpu.memory_space<vmem>>) dst(%dma_wait3A_60 : memref<4704x16xf32, #tpu.memory_space<hbm>>)
      tpu.yield
    }) : () -> ()
    return
  }
}

module attributes {stable_mosaic.version = 14 : i64} {
  func.func @_vq_body(%arg0: i32, %arg1: memref<392x256xf32, #tpu.memory_space<vmem>>, %arg2: memref<392x1xf32, #tpu.memory_space<vmem>>, %arg3: memref<1024x256xf32, #tpu.memory_space<vmem>>, %arg4: memref<256x768xf32, #tpu.memory_space<vmem>>, %arg5: memref<768xf32, #tpu.memory_space<vmem>>, %arg6: memref<1x1x392xi32, #tpu.memory_space<vmem>>, %arg7: memref<1024x768xf32, #tpu.memory_space<vmem>>) attributes {dimension_semantics = [#tpu.dimension_semantics<arbitrary>], iteration_bounds = array<i64: 8>, scalar_prefetch = 0 : i64, scratch_operands = 0 : i64, tpu.core_type = #tpu.core_type<tc>, window_params = [{transform_indices = @transform_0, window_bounds = array<i64: 392, 256>}, {transform_indices = @transform_1, window_bounds = array<i64: 392, 1>}, {pipeline_mode = #tpu.pipeline_mode<synchronous>, transform_indices = @transform_2, window_bounds = array<i64: 1024, 256>}, {pipeline_mode = #tpu.pipeline_mode<synchronous>, transform_indices = @transform_3, window_bounds = array<i64: 256, 768>}, {pipeline_mode = #tpu.pipeline_mode<synchronous>, transform_indices = @transform_4, window_bounds = array<i64: 768>}, {transform_indices = @transform_5, window_bounds = array<i64: 1, 1, 392>}, {pipeline_mode = #tpu.pipeline_mode<synchronous>, transform_indices = @transform_6, window_bounds = array<i64: 1024, 768>}]} {
    %eq3A = arith.constant 0 : i32
    %eq3A_0 = arith.cmpi eq, %arg0, %eq3A : i32
    %convert_element_type3A = arith.extui %eq3A_0 : i1 to i32
    %cond3A = arith.constant 0 : i32
    %cond3A_1 = arith.cmpi ne, %convert_element_type3A, %cond3A : i32
    scf.if %cond3A_1 {
      %get3A_29 = arith.constant 0 : index
      %get3A_30 = arith.constant 0 : index
      %get3A_31 = vector.load %arg3[%get3A_29, %get3A_30] : memref<1024x256xf32, #tpu.memory_space<vmem>>, vector<1024x256xf32>
      %get3A_32 = arith.constant 0 : index
      %get3A_33 = arith.constant 0 : index
      %get3A_34 = vector.load %arg4[%get3A_32, %get3A_33] : memref<256x768xf32, #tpu.memory_space<vmem>>, vector<256x768xf32>
      %dot_general3A_35 = arith.constant dense<0.000000e+00> : vector<1024x768xf32>
      %dot_general3A_36 = tpu.matmul %get3A_31, %get3A_34, %dot_general3A_35 {dimension_numbers = #tpu.dot_dimension_numbers<[1], [0], [0], [1], [0, 0, 1, 1], [], []>, transpose_lhs_hint = false} : vector<1024x256xf32>, vector<256x768xf32>, vector<1024x768xf32> -> vector<1024x768xf32>
      %get3A_37 = arith.constant 0 : index
      %get3A_38 = vector.load %arg5[%get3A_37] : memref<768xf32, #tpu.memory_space<vmem>>, vector<768xf32>
      %broadcast_in_dim3A_39 = vector.shape_cast %get3A_38 : vector<768xf32> to vector<1x768xf32>
      %add3A_40 = vector.broadcast %broadcast_in_dim3A_39 : vector<1x768xf32> to vector<1024x768xf32>
      %add3A_41 = arith.addf %dot_general3A_36, %add3A_40 : vector<1024x768xf32>
      %swap3A_42 = arith.constant 0 : index
      %swap3A_43 = arith.constant 0 : index
      %swap3A_44 = vector.load %arg7[%swap3A_42, %swap3A_43] : memref<1024x768xf32, #tpu.memory_space<vmem>>, vector<1024x768xf32>
      tpu.vector_store %arg7[%swap3A_42, %swap3A_43], %add3A_41 {strides = array<i32>} : memref<1024x768xf32, #tpu.memory_space<vmem>>, vector<1024x768xf32>,
    } else {
    }
    %get3A = arith.constant 0 : index
    %get3A_2 = arith.constant 0 : index
    %get3A_3 = vector.load %arg3[%get3A, %get3A_2] : memref<1024x256xf32, #tpu.memory_space<vmem>>, vector<1024x256xf32>
    %mul3A = arith.mulf %get3A_3, %get3A_3 : vector<1024x256xf32>
    %reduce_sum3A = arith.constant dense<0.000000e+00> : vector<1024xf32>
    %reduce_sum3A_4 = vector.multi_reduction <add>, %mul3A, %reduce_sum3A [1] : vector<1024x256xf32> to vector<1024xf32>
    %broadcast_in_dim3A = vector.shape_cast %reduce_sum3A_4 : vector<1024xf32> to vector<1024x1xf32>
    %get3A_5 = arith.constant 0 : index
    %get3A_6 = arith.constant 0 : index
    %get3A_7 = vector.load %arg1[%get3A_5, %get3A_6] : memref<392x256xf32, #tpu.memory_space<vmem>>, vector<392x256xf32>
    %dot_general3A = arith.constant dense<0.000000e+00> : vector<392x1024xf32>
    %dot_general3A_8 = tpu.matmul %get3A_7, %get3A_3, %dot_general3A {dimension_numbers = #tpu.dot_dimension_numbers<[1], [1], [0], [0], [0, 0, 1, 0], [], []>, transpose_lhs_hint = false} : vector<392x256xf32>, vector<1024x256xf32>, vector<392x1024xf32> -> vector<392x1024xf32>
    %get3A_9 = arith.constant 0 : index
    %get3A_10 = arith.constant 0 : index
    %get3A_11 = vector.load %arg2[%get3A_9, %get3A_10] : memref<392x1xf32, #tpu.memory_space<vmem>>, vector<392x1xf32>
    %transpose3A = tpu.transpose %broadcast_in_dim3A, [1, 0] : vector<1024x1xf32> -> vector<1x1024xf32>
    %add3A = vector.broadcast %get3A_11 : vector<392x1xf32> to vector<392x1024xf32>
    %add3A_12 = vector.broadcast %transpose3A : vector<1x1024xf32> to vector<392x1024xf32>
    %add3A_13 = arith.addf %add3A, %add3A_12 : vector<392x1024xf32>
    %mul3A_14 = arith.constant 2.000000e+00 : f32
    %mul3A_15 = vector.broadcast %mul3A_14 : f32 to vector<392x1024xf32>
    %mul3A_16 = arith.mulf %mul3A_15, %dot_general3A_8 : vector<392x1024xf32>
    %sub3A = arith.subf %add3A_13, %mul3A_16 : vector<392x1024xf32>
    %reduce_min3A = arith.constant dense<0x7F800000> : vector<392xf32>
    %reduce_min3A_17 = vector.multi_reduction <minimumf>, %sub3A, %reduce_min3A [1] : vector<392x1024xf32> to vector<392xf32>
    %broadcast_in_dim3A_18 = vector.shape_cast %reduce_min3A_17 : vector<392xf32> to vector<392x1xf32>
    %iota3A = tpu.iota {dimensions = array<i32: 1>} : vector<392x1024xi32>
    %eq3A_19 = vector.broadcast %broadcast_in_dim3A_18 : vector<392x1xf32> to vector<392x1024xf32>
    %eq3A_20 = arith.cmpf oeq, %sub3A, %eq3A_19 : vector<392x1024xf32>
    %jit3A = arith.constant 1024 : i32
    %broadcast_in_dim3A_21 = vector.broadcast %jit3A : i32 to vector<392x1024xi32>
    %select_n3A = arith.select %eq3A_20, %iota3A, %broadcast_in_dim3A_21 : vector<392x1024xi1>, vector<392x1024xi32>
    %reduce_min3A_22 = arith.constant dense<2147483647> : vector<392xi32>
    %reduce_min3A_23 = vector.multi_reduction <minsi>, %select_n3A, %reduce_min3A_22 [1] : vector<392x1024xi32> to vector<392xi32>
    %swap3A = arith.constant 0 : index
    %swap3A_24 = arith.constant 0 : index
    %swap3A_25 = arith.constant 0 : index
    %swap3A_26 = vector.load %arg6[%swap3A, %swap3A_24, %swap3A_25] : memref<1x1x392xi32, #tpu.memory_space<vmem>>, vector<1x1x392xi32>
    %swap3A_27 = vector.shape_cast %swap3A_26 : vector<1x1x392xi32> to vector<392xi32>
    %swap3A_28 = vector.shape_cast %reduce_min3A_23 : vector<392xi32> to vector<1x1x392xi32>
    tpu.vector_store %arg6[%swap3A, %swap3A_24, %swap3A_25], %swap3A_28 {strides = array<i32>} : memref<1x1x392xi32, #tpu.memory_space<vmem>>, vector<1x1x392xi32>,
    return
  }
  func.func @transform_0(%arg0: i32) -> (i32, i32) {
    %c0_i32 = arith.constant 0 : i32
    %c0_i32_0 = arith.constant 0 : i32
    return %arg0, %c0_i32 : i32, i32
  }
  func.func @transform_1(%arg0: i32) -> (i32, i32) {
    %c0_i32 = arith.constant 0 : i32
    %c0_i32_0 = arith.constant 0 : i32
    return %arg0, %c0_i32 : i32, i32
  }
  func.func @transform_2(%arg0: i32) -> (i32, i32) {
    %c0_i32 = arith.constant 0 : i32
    %c0_i32_0 = arith.constant 0 : i32
    %c0_i32_1 = arith.constant 0 : i32
    return %c0_i32, %c0_i32_0 : i32, i32
  }
  func.func @transform_3(%arg0: i32) -> (i32, i32) {
    %c0_i32 = arith.constant 0 : i32
    %c0_i32_0 = arith.constant 0 : i32
    %c0_i32_1 = arith.constant 0 : i32
    return %c0_i32, %c0_i32_0 : i32, i32
  }
  func.func @transform_4(%arg0: i32) -> i32 {
    %c0_i32 = arith.constant 0 : i32
    %c0_i32_0 = arith.constant 0 : i32
    return %c0_i32 : i32
  }
  func.func @transform_5(%arg0: i32) -> (i32, i32, i32) {
    %c0_i32 = arith.constant 0 : i32
    %c0_i32_0 = arith.constant 0 : i32
    %c0_i32_1 = arith.constant 0 : i32
    return %arg0, %c0_i32, %c0_i32_0 : i32, i32, i32
  }
  func.func @transform_6(%arg0: i32) -> (i32, i32) {
    %c0_i32 = arith.constant 0 : i32
    %c0_i32_0 = arith.constant 0 : i32
    %c0_i32_1 = arith.constant 0 : i32
    return %c0_i32, %c0_i32_0 : i32, i32
  }
}

</mosaic_0001>

<sc_bundles>
// kernel: kernel.5.cloned.1.call-start
scs
__scs_entry_jumppad:
0x0: {  	(pc) =	sbr.rel $0x88, $3  }
0x1: {  	(tag) =	ssettag $0x0;
	lr =	simm.s32 $0x1  }
0x2: {  	[smem:$0x3F9B] =	sst lr;
	_ =	strace $0xD0000000  }
0x3: {  	_ = 	snop  }
0x4: {  	_ = 	snop  }
0x5: {  	_ = 	snop  }
0x6: {  	_ = 	snop  }
0x7: {  	_ = 	snop  }
__scs_overlays_trampoline_lowered:
0x8: {  	[smem:$0x3FAA] =	sst s0  }
0x9: {  	[smem:$0x3FAB] =	sst s1  }
0xa: {  	[smem:$0x3FAC] =	sst s2  }
0xb: {  	[smem:$0x3FAD] =	sst s3  }
0xc: {  	[smem:$0x3FAE] =	sst s4  }
0xd: {  	[smem:$0x3FAF] =	sst s5  }
0xe: {  	[smem:$0x3FB0] =	sst s6  }
0xf: {  	[smem:$0x3FB1] =	sst s7  }
0x10: {  	[smem:$0x3FB2] =	sst s8  }
0x11: {  	[smem:$0x3FB3] =	sst s9;
	s0 =	simm.s32 @!p0 $0x0  }
0x12: {  	s1 =	sld [smem:$0x3F99];
	s0 =	simm.s32 @p0 $0x1  }
0x13: {  	[smem:$0x3FB4] =	sst s0;
	s0 =	simm.s32 @!p1 $0x0  }
0x14: {  	s2 =	sld [smem:$0x3F98];
	s0 =	simm.s32 @p1 $0x1  }
0x15: {  	[smem:$0x3FB5] =	sst s0;
	s0 =	simm.s32 @!p2 $0x0  }
0x16: {  	s3 =	sld [smem:$0x3FDB];
	s0 =	simm.s32 @p2 $0x1  }
0x17: {  	s4 =	simm.s32 $0x1BF5;
	[smem:$0x3FB7] =	sst s0  }
0x18: {  	s0 =	sld [smem:$0x3F9A];
	_ =	swait.ge [sflag:s4], $0x0  }
0x19: {  	s7 =	sld [smem:$0x3F9B]  }
0x1a: {  	s8 =	sadd.s32 $0xFFFFE003, lr  }
0x1b: {  	s9 =	sadd.s32 $0xFFFFFEF7, lr;
	s5 =	simm.s32 $0xFFFFFFFF;
	p2 =	slt.u32 s8, $0xFFFFF086  }
0x1c: {  	p1 =	slt.u32 s9, $0xF7A;
	s5 =	simm.s32 @!p2 $0x0  }
0x1d: {  	s5 =	simm.s32 @p1 $0x1;
	p0 =	seq.s32 s7, s2  }
0x1e: {  	s7 =	smul.u32 @!p0 $0xF7A, s2;
	p2 =	seq.s32 @!p0 s5, $0x0  }
0x1f: {  	s9 =	smul.u32 $0xF7A, s1;
	s8 =	simm.s32 @!p0 $0x1BF5;
	p2 =	por !p2, p0  }
0x20: {  	[sflag:s8] =	ssyncset.s32 @!p0 $0xFFFFF086;
	s6 =	sadd.s32 @!p0 s3, s7;
	s7 =	simm.s32 @!p0 $0x108  }
0x21: {  	s3 =	sadd.s32 s3, s9;
	s6 =	sadd.s32 @!p0 $0x88, s6;
	s7 =	simm.s32 @p2 $0x1082  }
0x22: {  	[simem:s7], [sflag:s8] =	dma.local @!p0 [hbm:s6], $0xF7A  }
0x23: {  	s9 =	sor.u32 $0xD0000000, s2;
	s6 =	simm.s32 $0x108;
	_ =	swait.ge @!p0 [sflag:s8], $0x0  }
0x24: {  	s3 =	sadd.s32 $0x88, s3;
	s6 =	simm.s32 @!p1 $0x1082;
	[sflag:s4] =	ssyncset.s32 $0xFFFFF086  }
0x25: {  	[simem:s6], [sflag:s4] =	dma.local [hbm:s3], $0xF7A  }
0x26: {  	[smem:$0x3F9B] =	sst s1;
	(tag) =	ssettag s2;
	_ =	strace s9  }
0x27: {  	s1 =	sld [smem:$0x3FAB]  }
0x28: {  	s2 =	sld [smem:$0x3FAC]  }
0x29: {  	s4 =	sld [smem:$0x3FAE]  }
0x2a: {  	p0 =	seq.s32 s5, $0x0;
	s5 =	sld [smem:$0x3FAF]  }
0x2b: {  	s6 =	sld [smem:$0x3FB0]  }
0x2c: {  	s7 =	sld [smem:$0x3FB1]  }
0x2d: {  	s3 =	simm.s32 $0x108;
	s8 =	sld [smem:$0x3FB2]  }
0x2e: {  	s3 =	simm.s32 @!p0 $0x1082;
	s9 =	sld [smem:$0x3FB3]  }
0x2f: {  	lr =	sadd.s32 s0, s3;
	s0 =	sld [smem:$0x3FAA]  }
0x30: {  	s3 =	sld [smem:$0x3FAD]  }
0x31: {  	[smem:$0x3FB6] =	sst s10  }
0x32: {  	s10 =	sld [smem:$0x3FB4];
	_ =	sdelay $0x3  }
0x33: {  	p0 =	seq.s32 s10, $0x1;
	s10 =	sld [smem:$0x3FB6];
	_ =	sdelay $0x3  }
0x34: {  	[smem:$0x3FB6] =	sst s10  }
0x35: {  	s10 =	sld [smem:$0x3FB5];
	_ =	sdelay $0x3  }
0x36: {  	p1 =	seq.s32 s10, $0x1;
	s10 =	sld [smem:$0x3FB6];
	_ =	sdelay $0x3  }
0x37: {  	[smem:$0x3FB6] =	sst s10  }
0x38: {  	s10 =	sld [smem:$0x3FB7]  }
0x39: {  	_ = 	snop;
	(pc) =	sbr.ind lr, $3  }
0x3a: {  	_ = 	snop  }
0x3b: {  	_ = 	snop  }
0x3c: {  	p2 =	seq.s32 s10, $0x1;
	s10 =	sld [smem:$0x3FB6]  }
0x3d: {  	_ =	shalt  }
0x3e: {  	_ =	shalt  }
0x3f: {  	_ =	shalt  }
0x40: {  	_ =	shalt  }
0x41: {  	_ =	shalt  }
0x42: {  	_ =	shalt  }
0x43: {  	_ =	shalt  }
0x44: {  	_ =	shalt  }
0x45: {  	_ =	shalt  }
0x46: {  	_ =	shalt  }
0x47: {  	_ =	shalt  }
0x48: {  	_ =	shalt  }
0x49: {  	_ =	shalt  }
0x4a: {  	_ =	shalt  }
0x4b: {  	_ =	shalt  }
0x4c: {  	_ =	shalt  }
0x4d: {  	_ =	shalt  }
0x4e: {  	_ =	shalt  }
0x4f: {  	_ =	shalt  }
0x50: {  	_ =	shalt  }
0x51: {  	_ =	shalt  }
0x52: {  	_ =	shalt  }
0x53: {  	_ =	shalt  }
0x54: {  	_ =	shalt  }
0x55: {  	_ =	shalt  }
0x56: {  	_ =	shalt  }
0x57: {  	_ =	shalt  }
0x58: {  	_ =	shalt  }
0x59: {  	_ =	shalt  }
0x5a: {  	_ =	shalt  }
0x5b: {  	_ =	shalt  }
0x5c: {  	_ =	shalt  }
0x5d: {  	_ =	shalt  }
0x5e: {  	_ =	shalt  }
0x5f: {  	_ =	shalt  }
0x60: {  	_ =	shalt  }
0x61: {  	_ =	shalt  }
0x62: {  	_ =	shalt  }
0x63: {  	_ =	shalt  }
0x64: {  	_ =	shalt  }
0x65: {  	_ =	shalt  }
0x66: {  	_ =	shalt  }
0x67: {  	_ =	shalt  }
0x68: {  	_ =	shalt  }
0x69: {  	_ =	shalt  }
0x6a: {  	_ =	shalt  }
0x6b: {  	_ =	shalt  }
0x6c: {  	_ =	shalt  }
0x6d: {  	_ =	shalt  }
0x6e: {  	_ =	shalt  }
0x6f: {  	_ =	shalt  }
0x70: {  	_ =	shalt  }
0x71: {  	_ =	shalt  }
0x72: {  	_ =	shalt  }
0x73: {  	_ =	shalt  }
0x74: {  	_ =	shalt  }
0x75: {  	_ =	shalt  }
0x76: {  	_ =	shalt  }
0x77: {  	_ =	shalt  }
0x78: {  	_ =	shalt  }
0x79: {  	_ =	shalt  }
0x7a: {  	_ =	shalt  }
0x7b: {  	_ =	shalt  }
0x7c: {  	_ =	shalt  }
0x7d: {  	_ =	shalt  }
0x7e: {  	_ =	shalt  }
0x7f: {  	_ =	shalt  }
0x80: {  	_ =	shalt  }
0x81: {  	_ =	shalt  }
0x82: {  	_ =	shalt  }
0x83: {  	_ =	shalt  }
0x84: {  	_ =	shalt  }
0x85: {  	_ =	shalt  }
0x86: {  	_ =	shalt  }
0x87: {  	_ =	shalt  }
.Lfunc_end0:
.L_simem_size_0:
called_computation_lowered:
.L_overlay_start_0:
0x88: {  	s2 =	sld [smem:$0x3FD9]  }
0x89: {  	s3 =	sld [smem:$0x3FFE];
	_ =	sdelay $0x1  }
0x8a: {  	s1 =	srdreg.scid  }
0x8b: {  	s0 =	sand.u32 $0x1, s1  }
0x8c: {  	s14 =	sshll.u32 s0, $0xA;
	s2 =	sadd.s32 s3, s2  }
0x8d: {  	s2 =	sadd.s32 s2, s14  }
0x8e: {  	[smem:$0x3FC2] =	sst s2  }
0x8f: {  	_ = 	snop  }
0x90: {  	s2 =	sld [smem:$0x3FD0];
	_ =	sdelay $0x2  }
0x91: {  	s15 =	simm.s32 $0xA;
	s4 =	simm.s32 $0x10  }
0x92: {  	[smem:s4], [sflag:s15] =	dma.local [hbm:s2], $0x1  }
0x93: {  	_ =	swait.eq [sflag:s15], $0x1  }
0x94: {  	[sflag:s15] =	ssyncset.done $0x0  }
0x95: {  	[sflag:s15] =	ssyncadd.s32 $0xFFFFFFFF  }
0x96: {  	s16 =	sld [smem:$0x10];
	(tm) =	ssettm $0x1  }
0x97: {  	s17 =	sld [smem:$0x3FFB];
	_ =	sdelay $0x3  }
0x98: {  	_ =	strace s17  }
0x99: {  	s3 =	sld [smem:$0x3FFC];
	_ =	sdelay $0x3  }
0x9a: {  	_ =	strace s3  }
0x9b: {  	s3 =	sld [smem:$0x3FFD];
	_ =	sdelay $0x3  }
0x9c: {  	_ =	strace s3  }
0x9d: {  	_ =	strace $0x8FFFFFFF  }
0x9e: {  	s18 =	sld [smem:$0x3FDB];
	_ =	sdelay $0x1  }
0x9f: {  	s19 =	simm.s32 $_scs_section_size  }
0xa0: {  	s5 =	simm.s32 $_size__tile_overlayer_lowered;
	s6 =	simm.s32 $_tile_overlayer_lowered  }
0xa1: {  	s22 =	simm.s32 $0x1BFF;
	s21 =	sshll.u32 s6, $0x1;
	s3 =	sadd.s32 s19, s18  }
0xa2: {  	s7 =	simm.s32 $0x0;
	s20 =	sshll.u32 s5, $0x1;
	s5 =	sadd.s32 s21, s3  }
0xa3: {  	[timem:s7], [sflag:s22] =	dma.local [hbm:s5], s20  }
0xa4: {  	_ =	swait.ge [sflag:s22], s20  }
0xa5: {  	s4 =	ssub.s32 $0x0, s20;
	[sflag:s22] =	ssyncset.done $0x0  }
0xa6: {  	[sflag:s22] =	ssyncadd.s32 s4;
	_ =	sdelay $0x1  }
0xa7: {  	s23 =	simm.s32 $0x1B8B  }
0xa8: {  	_ =	swait.ge [sflag:s23], $0x1  }
0xa9: {  	[sflag:s23] =	ssyncset.done $0x0  }
0xaa: {  	s25 =	simm.s32 $0x1B8E;
	s24 =	sld [smem:$0x3FFE];
	[sflag:s23] =	ssyncadd.s32 $0xFFFFFFFF  }
0xab: {  	s26 =	simm.s32 $execute0_lowered;
	[smem:$0x3FD2] =	sst s25  }
0xac: {  	s5 =	sshll.u32 s26, $0x1;
	_ =	strace $0x80000046;
	[dreg:$0x1] =	wrdreg $0xFFFFFFFF  }
0xad: {  	s28 =	simm.s32 $_size_execute0_lowered;
	s3 =	sadd.s32 s3, s5;
	[dreg:$0x0] =	wrdreg $0x0  }
0xae: {  	s5 =	sshll.u32 s28, $0x1;
	[dreg:$0x2] =	wrdreg s3  }
0xaf: {  	[dreg:$0x3] =	wrdreg s5  }
0xb0: {  	[dreg:$0x4] =	wrdreg $0xC0  }
0xb1: {  	_ =	task [dreg:s7], $0x5FFFF  }
0xb2: {  	[dreg:$0x1] =	wrdreg $0xFFFFFFFF  }
0xb3: {  	[dreg:$0x0] =	wrdreg $0x60  }
0xb4: {  	[dreg:$0x2] =	wrdreg s16  }
0xb5: {  	[dreg:$0x3] =	wrdreg s24  }
0xb6: {  	[dreg:$0x4] =	wrdreg $0x9  }
0xb7: {  	_ =	task.clear_ibuf [dreg:s7], $0x5FFFF;
	_ =	strace $0x90000046  }
0xb8: {  	s29 =	simm.s32 $0x9;
	_ =	strace $0x80000048  }
0xb9: {  	_ =	swait.ge [sflag:s29], $0x1  }
0xba: {  	[sflag:s29] =	ssyncadd.s32 $0xFFFFFFFF  }
0xbb: {  	_ =	strace $0x90000048  }
0xbc: {  	_ =	sfence  }
0xbd: {  	s30 =	sld [smem:$0x0];
	_ =	sdelay $0x2  }
0xbe: {  	s31 =	sshll.u32 s1, $0xD;
	s1 =	sshrl.u32 s1, $0x2  }
0xbf: {  	s3 =	sand.u32 $0x4000, s31;
	s1 =	sadd.s32 s1, s30  }
0xc0: {  	s0 =	sor.u32 s3, s0;
	s1 =	sshll.u32 s1, $0x11  }
0xc1: {  	s0 =	sor.u32 s1, s0  }
0xc2: {  	s0 =	sadd.s32 $0x8F2B, s0  }
0xc3: {  	[sflag:s0] =	ssyncadd.remote.s32 $0x1  }
0xc4: {  	_ =	sfence.sel $0xFFFF  }
0xc5: {  	[dreg:$0x0] =	wrdreg $0xFFFFFFFF;
	(pc) =	sbr.abs _section_cstart, $3  }
0xc6: {  	[dreg:$0x1] =	wrdreg $0xFFFFFFFF  }
0xc7: {  	_ =	task.clear_ibuf [dreg:s7], $0x2FFFF;
	_ =	strace $0x9FFFFFFF  }
0xc8: {  	(tm) =	ssettm $0x7FFFFFFF  }
0xc9: {  	_ =	shalt  }
tec
execute0_lowered:
.L_overlay_start_1:
0x0: {  	(tag) =	ssettag $0x1  }
0x1: {  	s1 =	srdreg.scid;
	s2 =	rddreg [dreg:$0x0]  }
0x2: {  	s0 =	stileid.u32;
	s5 =	rddreg [dreg:$0x1];
	s3 =	simm.s32 $0x0  }
0x3: {  	s8 =	simm.s32 $0x60;
	s4 =	sand.u32 $0x1, s1;
	s30 =	sshll.u32 s0, $0x1  }
0x4: {  	s9 =	simm.s32 $0x1;
	s10 =	simm.s32 $0x1260;
	s6 =	sor.u32 s4, s30  }
0x5: {  	s11 =	simm.s32 $0x0;
	s1 =	rddreg [dreg:$0x2];
	s7 =	smul.u32 $0x24C, s6  }
0x6: {  	[smem:$0x7FF] =	sst s3;
	s4 =	ssub.s32 $0x2, s4;
	s6 =	smul.u32 $0x24C0, s6  }
0x7: {  	_ =	strace $0x80000047;
	s31 =	sshrl.u32 s4, $0x1;
	s7 =	sadd.s32 s7, s5  }
0x8: {  	s5 =	sadd.s32 s6, s5;
	s6 =	ssub.s32 s4, s31;
	s4 =	sadd.s32 $0x1400, s7  }
0x9: {  	s5 =	sadd.s32 $0x5E00, s5;
	s6 =	smax.u32 s6, $0x1;
	s7 =	simm.s32 $0x2  }
.LBB2_1:
0xa: {  	[tilespmem:s3], [sflag:$0x2] =	stream.linear.gather [hbm4b:s4+s3], $0x1260, $0x38;
	[tilespmem:$0x13860] =	vst v63  }
0xb: {  	_ =	swait.ge [sflag:s7], $0x1260  }
0xc: {  	s12 =	simm.s32 $0x180;
	s15 =	simm.s32 $0x0;
	[sflag:s7] =	ssyncset.done $0x0  }
0xd: {  	s13 =	simm.s32 $0x1860;
	s14 =	simm.s32 $0x1260;
	[sflag:s7] =	ssyncadd.s32 $0xFFFFEDA0  }
.LBB2_2:
0xe: {  	[tilespmem:s14], [sflag:$0x1] =	stream.indirect.gather [hbm4b:s2+s8], $0x10, s15, s8, $0xb8;
	[tilespmem:$0x13860] =	vst v63  }
0xf: {  	s15 =	smov.u32 s12;
	s14 =	smov.u32 s13;
	p0 =	sne.s32 s12, $0x4800  }
.Ltmp0:
0x10: {  	s12 =	sadd.s32 $0x180, s12;
	(pc) =	sbr.rel @p0 .LBB2_2-.Ltmp0, $2  }
0x11: {  	_ =	sdelay $0x2  }
0x12: {  	s13 =	sadd.s32 $0x600, s13;
	s15 =	sshra.s32 s15, $0x2  }
0x13: {  	[tilespmem:s14], [sflag:$0x1] =	stream.indirect.gather [hbm4b:s2+s8], $0x10, s15, s8, $0xb8;
	[tilespmem:$0x13860] =	vst v63  }
0x14: {  	s11 =	sadd.s32 $0x1, s11;
	_ =	swait.ge [sflag:s9], $0x12600  }
0x15: {  	p0 =	sne.s32 s11, s6;
	[sflag:s9] =	ssyncset.done $0x0  }
.Ltmp1:
0x16: {  	[sflag:s9] =	ssyncadd.s32 $0xFFFEDA00;
	(pc) =	sbr.rel @p0 .LBB2_1-.Ltmp1, $4  }
0x17: {  	[hbm4b:s5+s3] =	stream.linear.scatter [tilespmem:s10], [sflag:$0x2], $0x12600, $0x38;
	[tilespmem:$0x13860] =	vst v63  }
0x18: {  	_ =	swait.ge [sflag:s7], $0x12600  }
0x19: {  	[sflag:s7] =	ssyncset.done $0x0  }
0x1a: {  	[sflag:s7] =	ssyncadd.s32 $0xFFFEDA00  }
0x1b: {  	_ =	sfence.sel $0x180000  }
0x1c: {  	[bflag:$0x0] =	sbarrier.arrive $0xFFFF  }
0x1d: {  	p0 =	sne.s32 s0, $0x0;
	_ =	strace $0x90000047  }
0x1e: {  	s0 =	sadd.s32 @!p0 $0x100000, s1;
	[bflag:$0x2] =	sbarrier.arrive $0xFFFF  }
0x1f: {  	[sflag:s0] =	ssyncadd.tile.s32 @!p0 $0x1;
	_ =	shalt  }
.Lfunc_end2:
_tile_overlayer_lowered:
.L_overlay_start_2:
0x20: {  	(tag) =	ssettag $0x2  }
0x21: {  	s0 =	rddreg [dreg:$0x0];
	s2 =	stileid.u32  }
0x22: {  	s1 =	rddreg [dreg:$0x1];
	p0 =	sne.s32 s2, $0x0  }
0x23: {  	s3 =	rddreg [dreg:$0x2];
	[bflag:$0x3] =	sbarrier.arrive $0xFFFF;
	s2 =	simm.s32 @!p0 $0x1C02  }
0x24: {  	[timem:s3], [sflag:s2] =	dma.local @!p0 [hbm:s0], s1  }
0x25: {  	s0 =	simm.s32 @!p0 $0x2  }
0x26: {  	_ =	swait.ge @!p0 [sflag:s0], s1  }
0x27: {  	s1 =	ssub.s32 @!p0 $0x0, s1;
	[sflag:s0] =	ssyncset.done @!p0 $0x0  }
0x28: {  	[sflag:s0] =	ssyncadd.s32 @!p0 s1  }
0x29: {  	[bflag:$0x3] =	sbarrier.arrive $0xFFFF  }
0x2a: {  	_ =	shalt  }

// kernel: kernel.8.cloned.1.call-start
scs
__scs_entry_jumppad:
0x0: {  	(pc) =	sbr.rel $0x88, $3  }
0x1: {  	(tag) =	ssettag $0x0;
	lr =	simm.s32 $0x1  }
0x2: {  	[smem:$0x3F9B] =	sst lr;
	_ =	strace $0xD0000000  }
0x3: {  	_ = 	snop  }
0x4: {  	_ = 	snop  }
0x5: {  	_ = 	snop  }
0x6: {  	_ = 	snop  }
0x7: {  	_ = 	snop  }
__scs_overlays_trampoline_lowered:
0x8: {  	[smem:$0x3FAA] =	sst s0  }
0x9: {  	[smem:$0x3FAB] =	sst s1  }
0xa: {  	[smem:$0x3FAC] =	sst s2  }
0xb: {  	[smem:$0x3FAD] =	sst s3  }
0xc: {  	[smem:$0x3FAE] =	sst s4  }
0xd: {  	[smem:$0x3FAF] =	sst s5  }
0xe: {  	[smem:$0x3FB0] =	sst s6  }
0xf: {  	[smem:$0x3FB1] =	sst s7  }
0x10: {  	[smem:$0x3FB2] =	sst s8  }
0x11: {  	[smem:$0x3FB3] =	sst s9;
	s0 =	simm.s32 @!p0 $0x0  }
0x12: {  	s1 =	sld [smem:$0x3F99];
	s0 =	simm.s32 @p0 $0x1  }
0x13: {  	[smem:$0x3FB4] =	sst s0;
	s0 =	simm.s32 @!p1 $0x0  }
0x14: {  	s2 =	sld [smem:$0x3F98];
	s0 =	simm.s32 @p1 $0x1  }
0x15: {  	[smem:$0x3FB5] =	sst s0;
	s0 =	simm.s32 @!p2 $0x0  }
0x16: {  	s3 =	sld [smem:$0x3FDB];
	s0 =	simm.s32 @p2 $0x1  }
0x17: {  	s4 =	simm.s32 $0x1BF5;
	[smem:$0x3FB7] =	sst s0  }
0x18: {  	s0 =	sld [smem:$0x3F9A];
	_ =	swait.ge [sflag:s4], $0x0  }
0x19: {  	s7 =	sld [smem:$0x3F9B]  }
0x1a: {  	s8 =	sadd.s32 $0xFFFFE003, lr  }
0x1b: {  	s9 =	sadd.s32 $0xFFFFFEF7, lr;
	s5 =	simm.s32 $0xFFFFFFFF;
	p2 =	slt.u32 s8, $0xFFFFF086  }
0x1c: {  	p1 =	slt.u32 s9, $0xF7A;
	s5 =	simm.s32 @!p2 $0x0  }
0x1d: {  	s5 =	simm.s32 @p1 $0x1;
	p0 =	seq.s32 s7, s2  }
0x1e: {  	s7 =	smul.u32 @!p0 $0xF7A, s2;
	p2 =	seq.s32 @!p0 s5, $0x0  }
0x1f: {  	s9 =	smul.u32 $0xF7A, s1;
	s8 =	simm.s32 @!p0 $0x1BF5;
	p2 =	por !p2, p0  }
0x20: {  	[sflag:s8] =	ssyncset.s32 @!p0 $0xFFFFF086;
	s6 =	sadd.s32 @!p0 s3, s7;
	s7 =	simm.s32 @!p0 $0x108  }
0x21: {  	s3 =	sadd.s32 s3, s9;
	s6 =	sadd.s32 @!p0 $0x88, s6;
	s7 =	simm.s32 @p2 $0x1082  }
0x22: {  	[simem:s7], [sflag:s8] =	dma.local @!p0 [hbm:s6], $0xF7A  }
0x23: {  	s9 =	sor.u32 $0xD0000000, s2;
	s6 =	simm.s32 $0x108;
	_ =	swait.ge @!p0 [sflag:s8], $0x0  }
0x24: {  	s3 =	sadd.s32 $0x88, s3;
	s6 =	simm.s32 @!p1 $0x1082;
	[sflag:s4] =	ssyncset.s32 $0xFFFFF086  }
0x25: {  	[simem:s6], [sflag:s4] =	dma.local [hbm:s3], $0xF7A  }
0x26: {  	[smem:$0x3F9B] =	sst s1;
	(tag) =	ssettag s2;
	_ =	strace s9  }
0x27: {  	s1 =	sld [smem:$0x3FAB]  }
0x28: {  	s2 =	sld [smem:$0x3FAC]  }
0x29: {  	s4 =	sld [smem:$0x3FAE]  }
0x2a: {  	p0 =	seq.s32 s5, $0x0;
	s5 =	sld [smem:$0x3FAF]  }
0x2b: {  	s6 =	sld [smem:$0x3FB0]  }
0x2c: {  	s7 =	sld [smem:$0x3FB1]  }
0x2d: {  	s3 =	simm.s32 $0x108;
	s8 =	sld [smem:$0x3FB2]  }
0x2e: {  	s3 =	simm.s32 @!p0 $0x1082;
	s9 =	sld [smem:$0x3FB3]  }
0x2f: {  	lr =	sadd.s32 s0, s3;
	s0 =	sld [smem:$0x3FAA]  }
0x30: {  	s3 =	sld [smem:$0x3FAD]  }
0x31: {  	[smem:$0x3FB6] =	sst s10  }
0x32: {  	s10 =	sld [smem:$0x3FB4];
	_ =	sdelay $0x3  }
0x33: {  	p0 =	seq.s32 s10, $0x1;
	s10 =	sld [smem:$0x3FB6];
	_ =	sdelay $0x3  }
0x34: {  	[smem:$0x3FB6] =	sst s10  }
0x35: {  	s10 =	sld [smem:$0x3FB5];
	_ =	sdelay $0x3  }
0x36: {  	p1 =	seq.s32 s10, $0x1;
	s10 =	sld [smem:$0x3FB6];
	_ =	sdelay $0x3  }
0x37: {  	[smem:$0x3FB6] =	sst s10  }
0x38: {  	s10 =	sld [smem:$0x3FB7]  }
0x39: {  	_ = 	snop;
	(pc) =	sbr.ind lr, $3  }
0x3a: {  	_ = 	snop  }
0x3b: {  	_ = 	snop  }
0x3c: {  	p2 =	seq.s32 s10, $0x1;
	s10 =	sld [smem:$0x3FB6]  }
0x3d: {  	_ =	shalt  }
0x3e: {  	_ =	shalt  }
0x3f: {  	_ =	shalt  }
0x40: {  	_ =	shalt  }
0x41: {  	_ =	shalt  }
0x42: {  	_ =	shalt  }
0x43: {  	_ =	shalt  }
0x44: {  	_ =	shalt  }
0x45: {  	_ =	shalt  }
0x46: {  	_ =	shalt  }
0x47: {  	_ =	shalt  }
0x48: {  	_ =	shalt  }
0x49: {  	_ =	shalt  }
0x4a: {  	_ =	shalt  }
0x4b: {  	_ =	shalt  }
0x4c: {  	_ =	shalt  }
0x4d: {  	_ =	shalt  }
0x4e: {  	_ =	shalt  }
0x4f: {  	_ =	shalt  }
0x50: {  	_ =	shalt  }
0x51: {  	_ =	shalt  }
0x52: {  	_ =	shalt  }
0x53: {  	_ =	shalt  }
0x54: {  	_ =	shalt  }
0x55: {  	_ =	shalt  }
0x56: {  	_ =	shalt  }
0x57: {  	_ =	shalt  }
0x58: {  	_ =	shalt  }
0x59: {  	_ =	shalt  }
0x5a: {  	_ =	shalt  }
0x5b: {  	_ =	shalt  }
0x5c: {  	_ =	shalt  }
0x5d: {  	_ =	shalt  }
0x5e: {  	_ =	shalt  }
0x5f: {  	_ =	shalt  }
0x60: {  	_ =	shalt  }
0x61: {  	_ =	shalt  }
0x62: {  	_ =	shalt  }
0x63: {  	_ =	shalt  }
0x64: {  	_ =	shalt  }
0x65: {  	_ =	shalt  }
0x66: {  	_ =	shalt  }
0x67: {  	_ =	shalt  }
0x68: {  	_ =	shalt  }
0x69: {  	_ =	shalt  }
0x6a: {  	_ =	shalt  }
0x6b: {  	_ =	shalt  }
0x6c: {  	_ =	shalt  }
0x6d: {  	_ =	shalt  }
0x6e: {  	_ =	shalt  }
0x6f: {  	_ =	shalt  }
0x70: {  	_ =	shalt  }
0x71: {  	_ =	shalt  }
0x72: {  	_ =	shalt  }
0x73: {  	_ =	shalt  }
0x74: {  	_ =	shalt  }
0x75: {  	_ =	shalt  }
0x76: {  	_ =	shalt  }
0x77: {  	_ =	shalt  }
0x78: {  	_ =	shalt  }
0x79: {  	_ =	shalt  }
0x7a: {  	_ =	shalt  }
0x7b: {  	_ =	shalt  }
0x7c: {  	_ =	shalt  }
0x7d: {  	_ =	shalt  }
0x7e: {  	_ =	shalt  }
0x7f: {  	_ =	shalt  }
0x80: {  	_ =	shalt  }
0x81: {  	_ =	shalt  }
0x82: {  	_ =	shalt  }
0x83: {  	_ =	shalt  }
0x84: {  	_ =	shalt  }
0x85: {  	_ =	shalt  }
0x86: {  	_ =	shalt  }
0x87: {  	_ =	shalt  }
.Lfunc_end0:
.L_simem_size_0:
called_computation.1_lowered:
.L_overlay_start_0:
0x88: {  	s2 =	sld [smem:$0x3FD9]  }
0x89: {  	s3 =	sld [smem:$0x3FFE];
	_ =	sdelay $0x1  }
0x8a: {  	s1 =	srdreg.scid  }
0x8b: {  	s0 =	sand.u32 $0x1, s1  }
0x8c: {  	s14 =	sshll.u32 s0, $0xA;
	s2 =	sadd.s32 s3, s2  }
0x8d: {  	s2 =	sadd.s32 s2, s14  }
0x8e: {  	[smem:$0x3FC2] =	sst s2  }
0x8f: {  	_ = 	snop  }
0x90: {  	s2 =	sld [smem:$0x3FD0];
	_ =	sdelay $0x2  }
0x91: {  	s15 =	simm.s32 $0xA;
	s4 =	simm.s32 $0x10  }
0x92: {  	[smem:s4], [sflag:s15] =	dma.local [hbm:s2], $0x1  }
0x93: {  	_ =	swait.eq [sflag:s15], $0x1  }
0x94: {  	[sflag:s15] =	ssyncset.done $0x0  }
0x95: {  	[sflag:s15] =	ssyncadd.s32 $0xFFFFFFFF  }
0x96: {  	s16 =	sld [smem:$0x10];
	(tm) =	ssettm $0x1  }
0x97: {  	s17 =	sld [smem:$0x3FFB];
	_ =	sdelay $0x3  }
0x98: {  	_ =	strace s17  }
0x99: {  	s3 =	sld [smem:$0x3FFC];
	_ =	sdelay $0x3  }
0x9a: {  	_ =	strace s3  }
0x9b: {  	s3 =	sld [smem:$0x3FFD];
	_ =	sdelay $0x3  }
0x9c: {  	_ =	strace s3  }
0x9d: {  	_ =	strace $0x8FFFFFFF  }
0x9e: {  	s18 =	sld [smem:$0x3FDB];
	_ =	sdelay $0x1  }
0x9f: {  	s19 =	simm.s32 $_scs_section_size  }
0xa0: {  	s5 =	simm.s32 $_size__tile_overlayer_lowered;
	s6 =	simm.s32 $_tile_overlayer_lowered  }
0xa1: {  	s22 =	simm.s32 $0x1BFF;
	s21 =	sshll.u32 s6, $0x1;
	s3 =	sadd.s32 s19, s18  }
0xa2: {  	s7 =	simm.s32 $0x0;
	s20 =	sshll.u32 s5, $0x1;
	s5 =	sadd.s32 s21, s3  }
0xa3: {  	[timem:s7], [sflag:s22] =	dma.local [hbm:s5], s20  }
0xa4: {  	_ =	swait.ge [sflag:s22], s20  }
0xa5: {  	s4 =	ssub.s32 $0x0, s20;
	[sflag:s22] =	ssyncset.done $0x0  }
0xa6: {  	[sflag:s22] =	ssyncadd.s32 s4;
	_ =	sdelay $0x1  }
0xa7: {  	s23 =	simm.s32 $0x1B8B  }
0xa8: {  	_ =	swait.ge [sflag:s23], $0x1  }
0xa9: {  	[sflag:s23] =	ssyncset.done $0x0  }
0xaa: {  	s25 =	simm.s32 $0x1B8E;
	s24 =	sld [smem:$0x3FFE];
	[sflag:s23] =	ssyncadd.s32 $0xFFFFFFFF  }
0xab: {  	s26 =	simm.s32 $execute0_lowered;
	[smem:$0x3FD2] =	sst s25  }
0xac: {  	s5 =	sshll.u32 s26, $0x1;
	_ =	strace $0x80000049;
	[dreg:$0x1] =	wrdreg $0xFFFFFFFF  }
0xad: {  	s28 =	simm.s32 $_size_execute0_lowered;
	s3 =	sadd.s32 s3, s5;
	[dreg:$0x0] =	wrdreg $0x0  }
0xae: {  	s5 =	sshll.u32 s28, $0x1;
	[dreg:$0x2] =	wrdreg s3  }
0xaf: {  	[dreg:$0x3] =	wrdreg s5  }
0xb0: {  	[dreg:$0x4] =	wrdreg $0xC0  }
0xb1: {  	_ =	task [dreg:s7], $0x5FFFF  }
0xb2: {  	[dreg:$0x1] =	wrdreg $0xFFFFFFFF  }
0xb3: {  	[dreg:$0x0] =	wrdreg $0x60  }
0xb4: {  	[dreg:$0x2] =	wrdreg s16  }
0xb5: {  	[dreg:$0x3] =	wrdreg s24  }
0xb6: {  	[dreg:$0x4] =	wrdreg $0x9  }
0xb7: {  	_ =	task.clear_ibuf [dreg:s7], $0x5FFFF;
	_ =	strace $0x90000049  }
0xb8: {  	s29 =	simm.s32 $0x9;
	_ =	strace $0x8000004B  }
0xb9: {  	_ =	swait.ge [sflag:s29], $0x1  }
0xba: {  	[sflag:s29] =	ssyncadd.s32 $0xFFFFFFFF  }
0xbb: {  	_ =	strace $0x9000004B  }
0xbc: {  	_ =	sfence  }
0xbd: {  	s30 =	sld [smem:$0x0];
	_ =	sdelay $0x2  }
0xbe: {  	s31 =	sshll.u32 s1, $0xD;
	s1 =	sshrl.u32 s1, $0x2  }
0xbf: {  	s3 =	sand.u32 $0x4000, s31;
	s1 =	sadd.s32 s1, s30  }
0xc0: {  	s0 =	sor.u32 s3, s0;
	s1 =	sshll.u32 s1, $0x11  }
0xc1: {  	s0 =	sor.u32 s1, s0  }
0xc2: {  	s0 =	sadd.s32 $0x8F2B, s0  }
0xc3: {  	[sflag:s0] =	ssyncadd.remote.s32 $0x1  }
0xc4: {  	_ =	sfence.sel $0xFFFF  }
0xc5: {  	[dreg:$0x0] =	wrdreg $0xFFFFFFFF;
	(pc) =	sbr.abs _section_cstart, $3  }
0xc6: {  	[dreg:$0x1] =	wrdreg $0xFFFFFFFF  }
0xc7: {  	_ =	task.clear_ibuf [dreg:s7], $0x2FFFF;
	_ =	strace $0x9FFFFFFF  }
0xc8: {  	(tm) =	ssettm $0x7FFFFFFF  }
0xc9: {  	_ =	shalt  }
tec
execute0_lowered:
.L_overlay_start_1:
0x0: {  	(tag) =	ssettag $0x1  }
0x1: {  	s1 =	srdreg.scid;
	s0 =	stileid.u32  }
0x2: {  	s2 =	rddreg [dreg:$0x0];
	s4 =	sand.u32 $0x1, s1;
	s31 =	sshll.u32 s0, $0x1  }
0x3: {  	s6 =	simm.s32 $0x1;
	s7 =	rddreg [dreg:$0x1];
	s5 =	sor.u32 s4, s31  }
0x4: {  	s3 =	simm.s32 $0x0;
	p1 =	seq.s32 s4, $0x1;
	p0 =	seq.s32 s5, $0x0  }
0x5: {  	s14 =	simm.s32 $0x37E8;
	s1 =	rddreg [dreg:$0x2];
	p0 =	por !p0, !p1  }
0x6: {  	s15 =	simm.s32 $0x0;
	[smem:$0x7FF] =	sst s3;
	p0 =	por !p0, !p0  }
0x7: {  	_ =	strace $0x8000004A;
	s8 =	smul.u32 $0x24C, s5;
	s6 =	simm.s32 @!p0 $0x0  }
0x8: {  	s10 =	ssub.s32 $0x2, s4;
	s5 =	smul.u32 $0x24C0, s5;
	s6 =	ssub.s32 s0, s6  }
0x9: {  	s4 =	simm.s32 $0x1;
	s11 =	sshrl.u32 s10, $0x1;
	s6 =	smul.u32 $0xC4, s6  }
0xa: {  	s10 =	ssub.s32 s10, s11;
	s11 =	simm.s32 $0xC8;
	s8 =	sadd.s32 s8, s7  }
0xb: {  	s12 =	sadd.s32 s5, s7;
	s9 =	sshrl.u32 s6, $0x3;
	s13 =	sand.u32 $0x4, s6  }
0xc: {  	s6 =	sadd.s32 $0x6000, s8;
	s9 =	sadd.s32 s9, s7;
	s7 =	sadd.s32 $0x1600, s8  }
0xd: {  	s8 =	sadd.s32 $0xAA00, s12;
	s12 =	simm.s32 $0x1328;
	v0 =	vmov s13;
	s13 =	simm.s32 $0x60  }
0xe: {  	s5 =	sadd.s32 $0x1400, s9;
	s9 =	smax.u32 s10, $0x1;
	s10 =	simm.s32 $0x2  }
.LBB2_1:
0xf: {  	[tilespmem:s3], [sflag:$0x2] =	stream.linear.gather [hbm4b:s5+s3], $0xC8, $0x38;
	[tilespmem:$0x15DE8] =	vst v63  }
0x10: {  	_ =	swait.ge [sflag:s10], $0xC8  }
0x11: {  	[sflag:s10] =	ssyncset.done $0x0  }
0x12: {  	[sflag:s10] =	ssyncadd.s32 $0xFFFFFF38  }
0x13: {  	[tilespmem:s11], [sflag:$0x2] =	stream.linear.gather [hbm4b:s6+s3], $0x1260, $0x38;
	[tilespmem:$0x15DE8] =	vst v63  }
0x14: {  	_ =	swait.ge [sflag:s10], $0x1260  }
0x15: {  	[sflag:s10] =	ssyncset.done $0x0  }
0x16: {  	[sflag:s10] =	ssyncadd.s32 $0xFFFFEDA0  }
0x17: {  	[tilespmem:s12], [sflag:$0x2] =	stream.linear.gather [hbm4b:s7+s3], $0x1260, $0x38;
	[tilespmem:$0x15DE8] =	vst v63  }
0x18: {  	_ =	swait.ge [sflag:s10], $0x1260  }
0x19: {  	[sflag:s10] =	ssyncset.done $0x0  }
0x1a: {  	s16 =	simm.s32 $0x0;
	[sflag:s10] =	ssyncadd.s32 $0xFFFFEDA0  }
0x1b: {  	v1 =	vld [tilespmem:s16+$0xC8];
	_ =	sdelay $0x4  }
0x1c: {  	v2 =	vadd.s32 v0, v1;
	_ =	sdelay $0x2  }
0x1d: {  	s17 =	simm.s32 $0x10  }
0x1e: {  	s18 =	simm.s32 $0x80;
	s19 =	simm.s32 $0x0;
	v1 =	vld [tilespmem:s17+$0xC8]  }
.LBB2_2:
0x1f: {  	p0 =	sne.s32 s18, $0x4940;
	v3 =	vld.idx.msk [tilespmem:v2+s19+$0x0], $0xffff;
	s20 =	smov.u32 s17;
	_ =	sdelay $0x2  }
0x20: {  	v4 =	vld [tilespmem:s16+$0x1328];
	_ =	sdelay $0x1  }
.Ltmp0:
0x21: {  	v2 =	vadd.s32 v0, v1;
	(pc) =	sbr.rel @p0 .LBB2_2-.Ltmp0, $3  }
0x22: {  	v1 =	vmul.u32 $0x30, v3;
	_ =	sdelay $0x1  }
0x23: {  	s17 =	sshra.s32 s18, $0x2;
	v3 =	vadd.s32 v4, v1  }
0x24: {  	s18 =	sadd.s32 $0x40, s18;
	s19 =	simm.s32 $0x0;
	v1 =	vld [tilespmem:s17+$0xC8];
	[tilespmem:s16+$0x2588] =	vst v3;
	s16 =	smov.u32 s20  }
0x25: {  	_ =	sdelay $0x3  }
0x26: {  	v2 =	vld.idx.msk [tilespmem:v2+s19+$0x0], $0xffff;
	_ =	sdelay $0x1  }
0x27: {  	v3 =	vld [tilespmem:s16+$0x1328];
	_ =	sdelay $0x1  }
0x28: {  	v1 =	vadd.s32 v0, v1  }
0x29: {  	v2 =	vmul.u32 $0x30, v2;
	_ =	sdelay $0x1  }
0x2a: {  	v2 =	vadd.s32 v3, v2  }
0x2b: {  	s18 =	simm.s32 $0x0;
	[tilespmem:s16+$0x2588] =	vst v2  }
0x2c: {  	v1 =	vld.idx.msk [tilespmem:v1+s18+$0x0], $0xffff;
	_ =	sdelay $0x1  }
0x2d: {  	v2 =	vld [tilespmem:s17+$0x1328];
	_ =	sdelay $0x1  }
0x2e: {  	p0 =	por $0x1, $0x1  }
.Ltmp1:
0x2f: {  	v1 =	vmul.u32 $0x30, v1;
	(pc) =	sbr.rel @!p0 .LBB2_5-.Ltmp1, $4  }
0x30: {  	_ = 	snop  }
0x31: {  	v1 =	vadd.s32 v2, v1  }
0x32: {  	s31 =	simm.s32 $0x2588;
	s16 =	simm.s32 $0x37E8;
	[tilespmem:s17+$0x2588] =	vst v1;
	s17 =	simm.s32 $0x180  }
0x33: {  	[tilespmem:s16], [sflag:$0x1] =	stream.indirect.gather [hbm4b:s2+s13], $0x10, s31, s13, $0xb8;
	[tilespmem:$0x15DE8] =	vst v63  }
.LBB2_4:
0x34: {  	p0 =	sne.s32 s17, $0x4800  }
.Ltmp2:
0x35: {  	_ = 	snop;
	(pc) =	sbr.rel @p0 .LBB2_4-.Ltmp2, $4  }
0x36: {  	_ = 	snop  }
0x37: {  	s18 =	sshra.s32 s17, $0x2;
	s17 =	sadd.s32 $0x180, s17  }
0x38: {  	s16 =	sadd.s32 $0x600, s16;
	s18 =	sadd.s32 $0x2588, s18  }
0x39: {  	[tilespmem:s16], [sflag:$0x1] =	stream.indirect.gather [hbm4b:s2+s13], $0x10, s18, s13, $0xb8;
	[tilespmem:$0x15DE8] =	vst v63  }
.LBB2_5:
0x3a: {  	_ =	swait.ge [sflag:s4], $0x12600;
	s15 =	sadd.s32 $0x1, s15  }
0x3b: {  	[sflag:s4] =	ssyncset.done $0x0;
	p0 =	sne.s32 s15, s9  }
.Ltmp3:
0x3c: {  	[sflag:s4] =	ssyncadd.s32 $0xFFFEDA00;
	(pc) =	sbr.rel @p0 .LBB2_1-.Ltmp3, $4  }
0x3d: {  	[hbm4b:s8+s3] =	stream.linear.scatter [tilespmem:s14], [sflag:$0x2], $0x12600, $0x38;
	[tilespmem:$0x15DE8] =	vst v63  }
0x3e: {  	_ =	swait.ge [sflag:s10], $0x12600  }
0x3f: {  	[sflag:s10] =	ssyncset.done $0x0  }
0x40: {  	[sflag:s10] =	ssyncadd.s32 $0xFFFEDA00  }
0x41: {  	_ =	sfence.sel $0x180000  }
0x42: {  	[bflag:$0x0] =	sbarrier.arrive $0xFFFF  }
0x43: {  	p0 =	sne.s32 s0, $0x0;
	_ =	strace $0x9000004A  }
0x44: {  	s0 =	sadd.s32 @!p0 $0x100000, s1;
	[bflag:$0x2] =	sbarrier.arrive $0xFFFF  }
0x45: {  	[sflag:s0] =	ssyncadd.tile.s32 @!p0 $0x1;
	_ =	shalt  }
.Lfunc_end2:
_tile_overlayer_lowered:
.L_overlay_start_2:
0x46: {  	(tag) =	ssettag $0x2  }
0x47: {  	s0 =	rddreg [dreg:$0x0];
	s2 =	stileid.u32  }
0x48: {  	s1 =	rddreg [dreg:$0x1];
	p0 =	sne.s32 s2, $0x0  }
0x49: {  	s3 =	rddreg [dreg:$0x2];
	[bflag:$0x3] =	sbarrier.arrive $0xFFFF;
	s2 =	simm.s32 @!p0 $0x1C02  }
0x4a: {  	[timem:s3], [sflag:s2] =	dma.local @!p0 [hbm:s0], s1  }
0x4b: {  	s0 =	simm.s32 @!p0 $0x2  }
0x4c: {  	_ =	swait.ge @!p0 [sflag:s0], s1  }
0x4d: {  	s1 =	ssub.s32 @!p0 $0x0, s1;
	[sflag:s0] =	ssyncset.done @!p0 $0x0  }
0x4e: {  	[sflag:s0] =	ssyncadd.s32 @!p0 s1  }
0x4f: {  	[bflag:$0x3] =	sbarrier.arrive $0xFFFF  }
0x50: {  	_ =	shalt  }

</sc_bundles>
